<compile_context>
chip_gen: v7x
topology: tpu7x:2x2x1
jax: 0.10.2.dev20260603
libtpu: 0.0.44.dev20260713+nightly
codegen_flags: <defaults>
</compile_context>

<pallas_src>
import functools

import jax
import jax.numpy as jnp
from jax import lax
from jax.experimental import pallas as pl
from jax.experimental.pallas import tpu as pltpu
from jax.experimental.pallas import tpu_sc as plsc

B = 16
H = 12
S = 576
D = 768
K = 128


def _score_topk_body(sl_ref, idx_ref):
    lo = sl_ref[:, 0, :]
    for h in range(1, H // 2):
        lo = lo + sl_ref[:, h, :]
    hi = sl_ref[:, H // 2, :]
    for h in range(H // 2 + 1, H):
        hi = hi + sl_ref[:, h, :]
    v = (lo + hi) / jnp.float32(H)

    iota_i = lax.broadcasted_iota(jnp.int32, (B, 1, S), 2)
    vi = v[:, None, :]
    rank = jnp.zeros((B, S), jnp.float32)
    JC = 576
    for j0 in range(0, S, JC):
        vj = v[:, j0 : j0 + JC][:, :, None]
        jidx = lax.broadcasted_iota(jnp.int32, (B, JC, 1), 1) + j0
        before = (vj > vi) | ((vj == vi) & (jidx < iota_i))
        rank = rank + jnp.sum(jnp.where(before, 1.0, 0.0), axis=1)
    ranki = rank.astype(jnp.int32)

    kiota = lax.broadcasted_iota(jnp.int32, (B, 1, K), 2)
    out = jnp.zeros((B, K), jnp.int32)
    IC = 288
    for i0 in range(0, S, IC):
        rc = ranki[:, i0 : i0 + IC][:, :, None]
        ii = lax.broadcasted_iota(jnp.int32, (B, IC, 1), 1) + i0
        out = out + jnp.sum(jnp.where(rc == kiota, ii, 0), axis=1)

    row_k = lax.broadcasted_iota(jnp.int32, (B, K), 0)
    idx_ref[...] = out + S * row_k


_NC = 2
_NS = 16
_NW = _NC * _NS
ROWS = B * K
RPW = ROWS // _NW


def _sc_gather_body(table_hbm, idx_hbm, out_hbm, idx_v, rows_v, sem):
    wid = lax.axis_index("s") * _NC + lax.axis_index("c")
    base = wid * RPW
    pltpu.sync_copy(idx_hbm.at[pl.ds(base, RPW)], idx_v)
    pltpu.async_copy(table_hbm.at[idx_v], rows_v, sem).wait()
    pltpu.sync_copy(rows_v, out_hbm.at[pl.ds(base, RPW)])


@functools.cache
def _sc_gather():
    return pl.kernel(
        _sc_gather_body,
        mesh=plsc.VectorSubcoreMesh(core_axis_name="c", subcore_axis_name="s"),
        out_type=jax.ShapeDtypeStruct((ROWS, D), jnp.float32),
        scratch_types=[
            pltpu.VMEM((RPW,), jnp.int32),
            pltpu.VMEM((RPW, D), jnp.float32),
            pltpu.SemaphoreType.DMA,
        ],
    )


def kernel(feats, attns):
    sl = attns[:, :, 0, 1:]
    idx = pl.pallas_call(
        _score_topk_body,
        in_specs=[pl.BlockSpec((B, H, S), lambda: (0, 0, 0))],
        out_specs=pl.BlockSpec((B, K), lambda: (0, 0)),
        out_shape=jax.ShapeDtypeStruct((B, K), jnp.int32),
    )(sl)
    flat_idx = idx.reshape(ROWS)
    table = feats.reshape(B * S, D)
    out = _sc_gather()(table, flat_idx)
    return out.reshape(B, K, D)

# --- scband reference (transcript-rebuilt; emitter-appended) ---
"""Pipeline reference for scband-top-feats-selector-10471130268337 (READ-ONLY COPY).

The authoritative reference and input builder live on the scoring server;
editing this copy changes nothing except your own understanding.
"""

import jax, jax.numpy as jnp
import numpy as np

EMBED_DIM = 768
TOP_K = 128

def setup_inputs(seed: int = 0) -> dict:
    key = jax.random.key(seed)
    k1, k2 = jax.random.split(key)
    feats = jax.random.normal(k1, (16, 576, 768), dtype=jnp.float32)
    attns = jax.random.uniform(k2, (16, 12, 577, 577), dtype=jnp.float32)
    return {"feats": feats, "attns": attns}

def reference(feats, attns):
    # method='cls', reduction='mean':
    # reduce(attns, 'b l s1 s2 -> b s1 s2', 'mean')[:, 0, 1:]
    a = jnp.mean(attns, axis=1)            # [b, s, s] mean over heads
    cls_attn = a[:, 0, 1:]                 # [b, s-1] cls-to-patch attention
    # topk over patch positions (largest=True)
    _, idx = jax.lax.top_k(cls_attn, TOP_K)  # [b, k] int32 indices
    # repeat(idx, 'b k -> b k d') then gather(feats, 1, idx)
    b = idx.shape[0]
    idx3 = jnp.broadcast_to(idx[:, :, None], (b, TOP_K, EMBED_DIM))
    top_feats = jnp.take_along_axis(feats, idx3, axis=1)  # [b, k, d]
    return top_feats

if __name__ == "__main__":
    import jax
    _d = setup_inputs()
    print(jax.jit(kernel)(*tuple(_d.values())))

</pallas_src>

<mosaic_0001>
#map = affine_map<(d0, d1) -> (0, 0)>
#map1 = affine_map<(d0, d1) -> (0)>
module attributes {stable_mosaic.version = 14 : i64} {
  func.func @_sc_gather_body(%arg0: i32, %arg1: i32, %arg2: memref<9216x768xf32, #tpu.memory_space<hbm>>, %arg3: memref<2048xi32, #tpu.memory_space<hbm>>, %arg4: memref<2048x768xf32, #tpu.memory_space<hbm>>, %arg5: memref<64xi32, #tpu.memory_space<vmem>>, %arg6: memref<64x768xf32, #tpu.memory_space<vmem>>, %arg7: memref<!tpu.dma_semaphore, #tpu.memory_space<semaphore_mem>>) attributes {dimension_semantics = [#tpu.dimension_semantics<core_parallel>, #tpu.dimension_semantics<subcore_parallel>], iteration_bounds = array<i64: 2, 16>, scalar_prefetch = 0 : i64, scratch_operands = 3 : i64, tpu.core_type = #tpu.core_type<sc_vector_subcore>, window_params = [{transform_indices = #map}, {transform_indices = #map1}, {transform_indices = #map}]} {
    %mul3A = arith.constant 2 : i32
    %mul3A_0 = arith.muli %arg1, %mul3A : i32
    %add3A = arith.addi %mul3A_0, %arg0 : i32
    %mul3A_1 = arith.constant 64 : i32
    %mul3A_2 = arith.muli %add3A, %mul3A_1 : i32
    "tpu.region"() ({
      %run_scoped3A = tpu.sem_alloc : memref<!tpu.dma_semaphore, #tpu.memory_space<semaphore_mem>>
      %dma_start3A_7 = tpu.memref_slice %arg3[%mul3A_2] : memref<2048xi32, #tpu.memory_space<hbm>> -> memref<64xi32, #tpu.memory_space<hbm>>
      %dma_start3A_8 = tpu.memref_slice %arg3[%mul3A_2] : memref<2048xi32, #tpu.memory_space<hbm>> -> memref<64xi32, #tpu.memory_space<hbm>>
      tpu.enqueue_dma source(%dma_start3A_8 : memref<64xi32, #tpu.memory_space<hbm>>) target(%arg5 : memref<64xi32, #tpu.memory_space<vmem>>) target_semaphore(%run_scoped3A : memref<!tpu.dma_semaphore, #tpu.memory_space<semaphore_mem>>)
      %dma_wait3A_9 = tpu.memref_slice %arg3[%mul3A_2] : memref<2048xi32, #tpu.memory_space<hbm>> -> memref<64xi32, #tpu.memory_space<hbm>>
      %dma_wait3A_10 = tpu.memref_slice %arg3[%mul3A_2] : memref<2048xi32, #tpu.memory_space<hbm>> -> memref<64xi32, #tpu.memory_space<hbm>>
      tpu.wait_dma2 semaphore(%run_scoped3A : memref<!tpu.dma_semaphore, #tpu.memory_space<semaphore_mem>>) src(%dma_wait3A_10 : memref<64xi32, #tpu.memory_space<hbm>>) dst(%arg5 : memref<64xi32, #tpu.memory_space<vmem>>)
      tpu.yield
    }) : () -> ()
    %dma_start3A = arith.constant 0 : i32
    %dma_start3A_3 = arith.constant 0 : i32
    %dma_start3A_4 = tpu.memref_slice %arg2[%dma_start3A, %dma_start3A_3] : memref<9216x768xf32, #tpu.memory_space<hbm>> -> memref<9216x768xf32, #tpu.memory_space<hbm>>
    tpu.enqueue_indirect_dma source(%dma_start3A_4 : memref<9216x768xf32, #tpu.memory_space<hbm>>) target(%arg6 : memref<64x768xf32, #tpu.memory_space<vmem>>) offsets(%arg5 : memref<64xi32, #tpu.memory_space<vmem>>) semaphore(%arg7 : memref<!tpu.dma_semaphore, #tpu.memory_space<semaphore_mem>>)
    %dma_wait3A = arith.constant 0 : i32
    %dma_wait3A_5 = arith.constant 0 : i32
    %dma_wait3A_6 = tpu.memref_slice %arg2[%dma_wait3A, %dma_wait3A_5] : memref<9216x768xf32, #tpu.memory_space<hbm>> -> memref<9216x768xf32, #tpu.memory_space<hbm>>
    tpu.wait_indirect_dma semaphore(%arg7 : memref<!tpu.dma_semaphore, #tpu.memory_space<semaphore_mem>>) src(%dma_wait3A_6 : memref<9216x768xf32, #tpu.memory_space<hbm>>) dst(%arg6 : memref<64x768xf32, #tpu.memory_space<vmem>>)
    "tpu.region"() ({
      %run_scoped3A = tpu.sem_alloc : memref<!tpu.dma_semaphore, #tpu.memory_space<semaphore_mem>>
      %dma_start3A_7 = arith.constant 0 : i32
      %dma_start3A_8 = tpu.memref_slice %arg4[%mul3A_2, %dma_start3A_7] : memref<2048x768xf32, #tpu.memory_space<hbm>> -> memref<64x768xf32, #tpu.memory_space<hbm>>
      %dma_start3A_9 = arith.constant 0 : i32
      %dma_start3A_10 = tpu.memref_slice %arg4[%mul3A_2, %dma_start3A_9] : memref<2048x768xf32, #tpu.memory_space<hbm>> -> memref<64x768xf32, #tpu.memory_space<hbm>>
      tpu.enqueue_dma source(%arg6 : memref<64x768xf32, #tpu.memory_space<vmem>>) target(%dma_start3A_10 : memref<64x768xf32, #tpu.memory_space<hbm>>) target_semaphore(%run_scoped3A : memref<!tpu.dma_semaphore, #tpu.memory_space<semaphore_mem>>)
      %dma_wait3A_11 = arith.constant 0 : i32
      %dma_wait3A_12 = tpu.memref_slice %arg4[%mul3A_2, %dma_wait3A_11] : memref<2048x768xf32, #tpu.memory_space<hbm>> -> memref<64x768xf32, #tpu.memory_space<hbm>>
      %dma_wait3A_13 = arith.constant 0 : i32
      %dma_wait3A_14 = tpu.memref_slice %arg4[%mul3A_2, %dma_wait3A_13] : memref<2048x768xf32, #tpu.memory_space<hbm>> -> memref<64x768xf32, #tpu.memory_space<hbm>>
      tpu.wait_dma2 semaphore(%run_scoped3A : memref<!tpu.dma_semaphore, #tpu.memory_space<semaphore_mem>>) src(%arg6 : memref<64x768xf32, #tpu.memory_space<vmem>>) dst(%dma_wait3A_14 : memref<64x768xf32, #tpu.memory_space<hbm>>)
      tpu.yield
    }) : () -> ()
    return
  }
}

module attributes {stable_mosaic.version = 14 : i64} {
  func.func @_score_topk_body(%arg0: memref<16x12x576xf32, #tpu.memory_space<vmem>>, %arg1: memref<16x128xi32, #tpu.memory_space<vmem>>) attributes {dimension_semantics = [], scalar_prefetch = 0 : i64, scratch_operands = 0 : i64, tpu.core_type = #tpu.core_type<tc>} {
    %get3A = arith.constant 0 : index
    %get3A_0 = arith.constant 0 : index
    %get3A_1 = arith.constant 0 : index
    %get3A_2 = vector.load %arg0[%get3A, %get3A_0, %get3A_1] : memref<16x12x576xf32, #tpu.memory_space<vmem>>, vector<16x1x576xf32>
    %get3A_3 = vector.shape_cast %get3A_2 : vector<16x1x576xf32> to vector<16x576xf32>
    %get3A_4 = arith.constant 0 : index
    %get3A_5 = arith.constant 1 : index
    %get3A_6 = arith.constant 0 : index
    %get3A_7 = vector.load %arg0[%get3A_4, %get3A_5, %get3A_6] : memref<16x12x576xf32, #tpu.memory_space<vmem>>, vector<16x1x576xf32>
    %get3A_8 = vector.shape_cast %get3A_7 : vector<16x1x576xf32> to vector<16x576xf32>
    %add3A = arith.addf %get3A_3, %get3A_8 : vector<16x576xf32>
    %get3A_9 = arith.constant 0 : index
    %get3A_10 = arith.constant 2 : index
    %get3A_11 = arith.constant 0 : index
    %get3A_12 = vector.load %arg0[%get3A_9, %get3A_10, %get3A_11] : memref<16x12x576xf32, #tpu.memory_space<vmem>>, vector<16x1x576xf32>
    %get3A_13 = vector.shape_cast %get3A_12 : vector<16x1x576xf32> to vector<16x576xf32>
    %add3A_14 = arith.addf %add3A, %get3A_13 : vector<16x576xf32>
    %get3A_15 = arith.constant 0 : index
    %get3A_16 = arith.constant 3 : index
    %get3A_17 = arith.constant 0 : index
    %get3A_18 = vector.load %arg0[%get3A_15, %get3A_16, %get3A_17] : memref<16x12x576xf32, #tpu.memory_space<vmem>>, vector<16x1x576xf32>
    %get3A_19 = vector.shape_cast %get3A_18 : vector<16x1x576xf32> to vector<16x576xf32>
    %add3A_20 = arith.addf %add3A_14, %get3A_19 : vector<16x576xf32>
    %get3A_21 = arith.constant 0 : index
    %get3A_22 = arith.constant 4 : index
    %get3A_23 = arith.constant 0 : index
    %get3A_24 = vector.load %arg0[%get3A_21, %get3A_22, %get3A_23] : memref<16x12x576xf32, #tpu.memory_space<vmem>>, vector<16x1x576xf32>
    %get3A_25 = vector.shape_cast %get3A_24 : vector<16x1x576xf32> to vector<16x576xf32>
    %add3A_26 = arith.addf %add3A_20, %get3A_25 : vector<16x576xf32>
    %get3A_27 = arith.constant 0 : index
    %get3A_28 = arith.constant 5 : index
    %get3A_29 = arith.constant 0 : index
    %get3A_30 = vector.load %arg0[%get3A_27, %get3A_28, %get3A_29] : memref<16x12x576xf32, #tpu.memory_space<vmem>>, vector<16x1x576xf32>
    %get3A_31 = vector.shape_cast %get3A_30 : vector<16x1x576xf32> to vector<16x576xf32>
    %add3A_32 = arith.addf %add3A_26, %get3A_31 : vector<16x576xf32>
    %get3A_33 = arith.constant 0 : index
    %get3A_34 = arith.constant 6 : index
    %get3A_35 = arith.constant 0 : index
    %get3A_36 = vector.load %arg0[%get3A_33, %get3A_34, %get3A_35] : memref<16x12x576xf32, #tpu.memory_space<vmem>>, vector<16x1x576xf32>
    %get3A_37 = vector.shape_cast %get3A_36 : vector<16x1x576xf32> to vector<16x576xf32>
    %get3A_38 = arith.constant 0 : index
    %get3A_39 = arith.constant 7 : index
    %get3A_40 = arith.constant 0 : index
    %get3A_41 = vector.load %arg0[%get3A_38, %get3A_39, %get3A_40] : memref<16x12x576xf32, #tpu.memory_space<vmem>>, vector<16x1x576xf32>
    %get3A_42 = vector.shape_cast %get3A_41 : vector<16x1x576xf32> to vector<16x576xf32>
    %add3A_43 = arith.addf %get3A_37, %get3A_42 : vector<16x576xf32>
    %get3A_44 = arith.constant 0 : index
    %get3A_45 = arith.constant 8 : index
    %get3A_46 = arith.constant 0 : index
    %get3A_47 = vector.load %arg0[%get3A_44, %get3A_45, %get3A_46] : memref<16x12x576xf32, #tpu.memory_space<vmem>>, vector<16x1x576xf32>
    %get3A_48 = vector.shape_cast %get3A_47 : vector<16x1x576xf32> to vector<16x576xf32>
    %add3A_49 = arith.addf %add3A_43, %get3A_48 : vector<16x576xf32>
    %get3A_50 = arith.constant 0 : index
    %get3A_51 = arith.constant 9 : index
    %get3A_52 = arith.constant 0 : index
    %get3A_53 = vector.load %arg0[%get3A_50, %get3A_51, %get3A_52] : memref<16x12x576xf32, #tpu.memory_space<vmem>>, vector<16x1x576xf32>
    %get3A_54 = vector.shape_cast %get3A_53 : vector<16x1x576xf32> to vector<16x576xf32>
    %add3A_55 = arith.addf %add3A_49, %get3A_54 : vector<16x576xf32>
    %get3A_56 = arith.constant 0 : index
    %get3A_57 = arith.constant 10 : index
    %get3A_58 = arith.constant 0 : index
    %get3A_59 = vector.load %arg0[%get3A_56, %get3A_57, %get3A_58] : memref<16x12x576xf32, #tpu.memory_space<vmem>>, vector<16x1x576xf32>
    %get3A_60 = vector.shape_cast %get3A_59 : vector<16x1x576xf32> to vector<16x576xf32>
    %add3A_61 = arith.addf %add3A_55, %get3A_60 : vector<16x576xf32>
    %get3A_62 = arith.constant 0 : index
    %get3A_63 = arith.constant 11 : index
    %get3A_64 = arith.constant 0 : index
    %get3A_65 = vector.load %arg0[%get3A_62, %get3A_63, %get3A_64] : memref<16x12x576xf32, #tpu.memory_space<vmem>>, vector<16x1x576xf32>
    %get3A_66 = vector.shape_cast %get3A_65 : vector<16x1x576xf32> to vector<16x576xf32>
    %add3A_67 = arith.addf %add3A_61, %get3A_66 : vector<16x576xf32>
    %add3A_68 = arith.addf %add3A_32, %add3A_67 : vector<16x576xf32>
    %div3A = arith.constant 1.200000e+01 : f32
    %div3A_69 = vector.broadcast %div3A : f32 to vector<16x576xf32>
    %div3A_70 = arith.divf %add3A_68, %div3A_69 : vector<16x576xf32>
    %iota3A = tpu.iota {dimensions = array<i32: 2>} : vector<16x1x576xi32>
    %broadcast_in_dim3A = vector.shape_cast %div3A_70 : vector<16x576xf32> to vector<16x1x576xf32>
    %broadcast_in_dim3A_71 = arith.constant 0.000000e+00 : f32
    %broadcast_in_dim3A_72 = vector.broadcast %broadcast_in_dim3A_71 : f32 to vector<16x576xf32>
    %broadcast_in_dim3A_73 = vector.shape_cast %div3A_70 : vector<16x576xf32> to vector<16x576x1xf32>
    %iota3A_74 = tpu.iota {dimensions = array<i32: 1>} : vector<16x576x1xi32>
    %add3A_75 = arith.constant 0 : i32
    %add3A_76 = vector.broadcast %add3A_75 : i32 to vector<16x576x1xi32>
    %add3A_77 = arith.addi %iota3A_74, %add3A_76 : vector<16x576x1xi32>
    %gt3A = vector.broadcast %broadcast_in_dim3A_73 : vector<16x576x1xf32> to vector<16x576x576xf32>
    %gt3A_78 = vector.broadcast %broadcast_in_dim3A : vector<16x1x576xf32> to vector<16x576x576xf32>
    %gt3A_79 = arith.cmpf ogt, %gt3A, %gt3A_78 : vector<16x576x576xf32>
    %eq3A = vector.broadcast %broadcast_in_dim3A_73 : vector<16x576x1xf32> to vector<16x576x576xf32>
    %eq3A_80 = vector.broadcast %broadcast_in_dim3A : vector<16x1x576xf32> to vector<16x576x576xf32>
    %eq3A_81 = arith.cmpf oeq, %eq3A, %eq3A_80 : vector<16x576x576xf32>
    %lt3A = vector.broadcast %add3A_77 : vector<16x576x1xi32> to vector<16x576x576xi32>
    %lt3A_82 = vector.broadcast %iota3A : vector<16x1x576xi32> to vector<16x576x576xi32>
    %lt3A_83 = arith.cmpi slt, %lt3A, %lt3A_82 : vector<16x576x576xi32>
    %and3A = arith.andi %eq3A_81, %lt3A_83 : vector<16x576x576xi1>
    %or3A = arith.ori %gt3A_79, %and3A : vector<16x576x576xi1>
    %jit3A = arith.constant 1.000000e+00 : f32
    %jit3A_84 = arith.constant 0.000000e+00 : f32
    %broadcast_in_dim3A_85 = vector.broadcast %jit3A : f32 to vector<16x576x576xf32>
    %broadcast_in_dim3A_86 = vector.broadcast %jit3A_84 : f32 to vector<16x576x576xf32>
    %select_n3A = arith.select %or3A, %broadcast_in_dim3A_85, %broadcast_in_dim3A_86 : vector<16x576x576xi1>, vector<16x576x576xf32>
    %reduce_sum3A = arith.constant dense<0.000000e+00> : vector<16x576xf32>
    %reduce_sum3A_87 = vector.multi_reduction <add>, %select_n3A, %reduce_sum3A [1] : vector<16x576x576xf32> to vector<16x576xf32>
    %add3A_88 = arith.addf %broadcast_in_dim3A_72, %reduce_sum3A_87 : vector<16x576xf32>
    %convert_element_type3A = arith.fptosi %add3A_88 : vector<16x576xf32> to vector<16x576xi32>
    %iota3A_89 = tpu.iota {dimensions = array<i32: 2>} : vector<16x1x128xi32>
    %broadcast_in_dim3A_90 = arith.constant 0 : i32
    %broadcast_in_dim3A_91 = vector.broadcast %broadcast_in_dim3A_90 : i32 to vector<16x128xi32>
    %slice3A = vector.extract_strided_slice %convert_element_type3A {offsets = [0, 0], sizes = [16, 288], strides = [1, 1]} : vector<16x576xi32> to vector<16x288xi32>
    %broadcast_in_dim3A_92 = vector.shape_cast %slice3A : vector<16x288xi32> to vector<16x288x1xi32>
    %iota3A_93 = tpu.iota {dimensions = array<i32: 1>} : vector<16x288x1xi32>
    %add3A_94 = arith.constant 0 : i32
    %add3A_95 = vector.broadcast %add3A_94 : i32 to vector<16x288x1xi32>
    %add3A_96 = arith.addi %iota3A_93, %add3A_95 : vector<16x288x1xi32>
    %eq3A_97 = vector.broadcast %broadcast_in_dim3A_92 : vector<16x288x1xi32> to vector<16x288x128xi32>
    %eq3A_98 = vector.broadcast %iota3A_89 : vector<16x1x128xi32> to vector<16x288x128xi32>
    %eq3A_99 = arith.cmpi eq, %eq3A_97, %eq3A_98 : vector<16x288x128xi32>
    %jit3A_100 = arith.constant 0 : i32
    %broadcast_in_dim3A_101 = vector.shape_cast %add3A_96 : vector<16x288x1xi32> to vector<16x288x1xi32>
    %broadcast_in_dim3A_102 = vector.broadcast %broadcast_in_dim3A_101 : vector<16x288x1xi32> to vector<16x288x128xi32>
    %broadcast_in_dim3A_103 = vector.broadcast %jit3A_100 : i32 to vector<16x288x128xi32>
    %select_n3A_104 = arith.select %eq3A_99, %broadcast_in_dim3A_102, %broadcast_in_dim3A_103 : vector<16x288x128xi1>, vector<16x288x128xi32>
    %reduce_sum3A_105 = arith.constant dense<0> : vector<16x128xi32>
    %reduce_sum3A_106 = vector.multi_reduction <add>, %select_n3A_104, %reduce_sum3A_105 [1] : vector<16x288x128xi32> to vector<16x128xi32>
    %add3A_107 = arith.addi %broadcast_in_dim3A_91, %reduce_sum3A_106 : vector<16x128xi32>
    %slice3A_108 = vector.extract_strided_slice %convert_element_type3A {offsets = [0, 288], sizes = [16, 288], strides = [1, 1]} : vector<16x576xi32> to vector<16x288xi32>
    %broadcast_in_dim3A_109 = vector.shape_cast %slice3A_108 : vector<16x288xi32> to vector<16x288x1xi32>
    %iota3A_110 = tpu.iota {dimensions = array<i32: 1>} : vector<16x288x1xi32>
    %add3A_111 = arith.constant 288 : i32
    %add3A_112 = vector.broadcast %add3A_111 : i32 to vector<16x288x1xi32>
    %add3A_113 = arith.addi %iota3A_110, %add3A_112 : vector<16x288x1xi32>
    %eq3A_114 = vector.broadcast %broadcast_in_dim3A_109 : vector<16x288x1xi32> to vector<16x288x128xi32>
    %eq3A_115 = vector.broadcast %iota3A_89 : vector<16x1x128xi32> to vector<16x288x128xi32>
    %eq3A_116 = arith.cmpi eq, %eq3A_114, %eq3A_115 : vector<16x288x128xi32>
    %jit3A_117 = arith.constant 0 : i32
    %broadcast_in_dim3A_118 = vector.shape_cast %add3A_113 : vector<16x288x1xi32> to vector<16x288x1xi32>
    %broadcast_in_dim3A_119 = vector.broadcast %broadcast_in_dim3A_118 : vector<16x288x1xi32> to vector<16x288x128xi32>
    %broadcast_in_dim3A_120 = vector.broadcast %jit3A_117 : i32 to vector<16x288x128xi32>
    %select_n3A_121 = arith.select %eq3A_116, %broadcast_in_dim3A_119, %broadcast_in_dim3A_120 : vector<16x288x128xi1>, vector<16x288x128xi32>
    %reduce_sum3A_122 = arith.constant dense<0> : vector<16x128xi32>
    %reduce_sum3A_123 = vector.multi_reduction <add>, %select_n3A_121, %reduce_sum3A_122 [1] : vector<16x288x128xi32> to vector<16x128xi32>
    %add3A_124 = arith.addi %add3A_107, %reduce_sum3A_123 : vector<16x128xi32>
    %iota3A_125 = tpu.iota {dimensions = array<i32: 0>} : vector<16x128xi32>
    %mul3A = arith.constant 576 : i32
    %mul3A_126 = vector.broadcast %mul3A : i32 to vector<16x128xi32>
    %mul3A_127 = arith.muli %mul3A_126, %iota3A_125 : vector<16x128xi32>
    %add3A_128 = arith.addi %add3A_124, %mul3A_127 : vector<16x128xi32>
    %swap3A = arith.constant 0 : index
    %swap3A_129 = arith.constant 0 : index
    %swap3A_130 = vector.load %arg1[%swap3A, %swap3A_129] : memref<16x128xi32, #tpu.memory_space<vmem>>, vector<16x128xi32>
    tpu.vector_store %arg1[%swap3A, %swap3A_129], %add3A_128 {strides = array<i32>} : memref<16x128xi32, #tpu.memory_space<vmem>>, vector<16x128xi32>,
    return
  }
}

</mosaic_0001>

<sc_bundles>
// kernel: kernel.4.cloned.1.call-start
scs
__scs_entry_jumppad:
0x0: {  	(pc) =	sbr.rel $0x88, $3  }
0x1: {  	(tag) =	ssettag $0x0;
	lr =	simm.s32 $0x1  }
0x2: {  	[smem:$0x3F9F] =	sst lr;
	_ =	strace $0xD0000000  }
0x3: {  	_ = 	snop  }
0x4: {  	_ = 	snop  }
0x5: {  	_ = 	snop  }
0x6: {  	_ = 	snop  }
0x7: {  	_ = 	snop  }
__scs_overlays_trampoline_lowered:
0x8: {  	[smem:$0x3FAE] =	sst s0  }
0x9: {  	[smem:$0x3FAF] =	sst s1  }
0xa: {  	[smem:$0x3FB0] =	sst s2  }
0xb: {  	[smem:$0x3FB1] =	sst s3  }
0xc: {  	[smem:$0x3FB2] =	sst s4  }
0xd: {  	[smem:$0x3FB3] =	sst s5  }
0xe: {  	[smem:$0x3FB4] =	sst s6  }
0xf: {  	[smem:$0x3FB5] =	sst s7  }
0x10: {  	[smem:$0x3FB6] =	sst s8  }
0x11: {  	[smem:$0x3FB7] =	sst s9;
	s0 =	simm.s32 @!p0 $0x0  }
0x12: {  	s1 =	sld [smem:$0x3F9D];
	s0 =	simm.s32 @p0 $0x1  }
0x13: {  	[smem:$0x3FB8] =	sst s0;
	s0 =	simm.s32 @!p1 $0x0  }
0x14: {  	s2 =	sld [smem:$0x3F9C];
	s0 =	simm.s32 @p1 $0x1  }
0x15: {  	[smem:$0x3FB9] =	sst s0;
	s0 =	simm.s32 @!p2 $0x0  }
0x16: {  	s3 =	sld [smem:$0x3FDB];
	s0 =	simm.s32 @p2 $0x1  }
0x17: {  	s4 =	simm.s32 $0x1BF5;
	[smem:$0x3FBB] =	sst s0  }
0x18: {  	s0 =	sld [smem:$0x3F9E];
	_ =	swait.ge [sflag:s4], $0x0  }
0x19: {  	s7 =	sld [smem:$0x3F9F]  }
0x1a: {  	s8 =	sadd.s32 $0xFFFFE003, lr  }
0x1b: {  	s9 =	sadd.s32 $0xFFFFFEF7, lr;
	s5 =	simm.s32 $0xFFFFFFFF;
	p2 =	slt.u32 s8, $0xFFFFF086  }
0x1c: {  	p1 =	slt.u32 s9, $0xF7A;
	s5 =	simm.s32 @!p2 $0x0  }
0x1d: {  	s5 =	simm.s32 @p1 $0x1;
	p0 =	seq.s32 s7, s2  }
0x1e: {  	s7 =	smul.u32 @!p0 $0xF7A, s2;
	p2 =	seq.s32 @!p0 s5, $0x0  }
0x1f: {  	s9 =	smul.u32 $0xF7A, s1;
	s8 =	simm.s32 @!p0 $0x1BF5;
	p2 =	por !p2, p0  }
0x20: {  	[sflag:s8] =	ssyncset.s32 @!p0 $0xFFFFF086;
	s6 =	sadd.s32 @!p0 s3, s7;
	s7 =	simm.s32 @!p0 $0x108  }
0x21: {  	s3 =	sadd.s32 s3, s9;
	s6 =	sadd.s32 @!p0 $0x88, s6;
	s7 =	simm.s32 @p2 $0x1082  }
0x22: {  	[simem:s7], [sflag:s8] =	dma.local @!p0 [hbm:s6], $0xF7A  }
0x23: {  	s9 =	sor.u32 $0xD0000000, s2;
	s6 =	simm.s32 $0x108;
	_ =	swait.ge @!p0 [sflag:s8], $0x0  }
0x24: {  	s3 =	sadd.s32 $0x88, s3;
	s6 =	simm.s32 @!p1 $0x1082;
	[sflag:s4] =	ssyncset.s32 $0xFFFFF086  }
0x25: {  	[simem:s6], [sflag:s4] =	dma.local [hbm:s3], $0xF7A  }
0x26: {  	[smem:$0x3F9F] =	sst s1;
	(tag) =	ssettag s2;
	_ =	strace s9  }
0x27: {  	s1 =	sld [smem:$0x3FAF]  }
0x28: {  	s2 =	sld [smem:$0x3FB0]  }
0x29: {  	s4 =	sld [smem:$0x3FB2]  }
0x2a: {  	p0 =	seq.s32 s5, $0x0;
	s5 =	sld [smem:$0x3FB3]  }
0x2b: {  	s6 =	sld [smem:$0x3FB4]  }
0x2c: {  	s7 =	sld [smem:$0x3FB5]  }
0x2d: {  	s3 =	simm.s32 $0x108;
	s8 =	sld [smem:$0x3FB6]  }
0x2e: {  	s3 =	simm.s32 @!p0 $0x1082;
	s9 =	sld [smem:$0x3FB7]  }
0x2f: {  	lr =	sadd.s32 s0, s3;
	s0 =	sld [smem:$0x3FAE]  }
0x30: {  	s3 =	sld [smem:$0x3FB1]  }
0x31: {  	[smem:$0x3FBA] =	sst s10  }
0x32: {  	s10 =	sld [smem:$0x3FB8];
	_ =	sdelay $0x3  }
0x33: {  	p0 =	seq.s32 s10, $0x1;
	s10 =	sld [smem:$0x3FBA];
	_ =	sdelay $0x3  }
0x34: {  	[smem:$0x3FBA] =	sst s10  }
0x35: {  	s10 =	sld [smem:$0x3FB9];
	_ =	sdelay $0x3  }
0x36: {  	p1 =	seq.s32 s10, $0x1;
	s10 =	sld [smem:$0x3FBA];
	_ =	sdelay $0x3  }
0x37: {  	[smem:$0x3FBA] =	sst s10  }
0x38: {  	s10 =	sld [smem:$0x3FBB]  }
0x39: {  	_ = 	snop;
	(pc) =	sbr.ind lr, $3  }
0x3a: {  	_ = 	snop  }
0x3b: {  	_ = 	snop  }
0x3c: {  	p2 =	seq.s32 s10, $0x1;
	s10 =	sld [smem:$0x3FBA]  }
0x3d: {  	_ =	shalt  }
0x3e: {  	_ =	shalt  }
0x3f: {  	_ =	shalt  }
0x40: {  	_ =	shalt  }
0x41: {  	_ =	shalt  }
0x42: {  	_ =	shalt  }
0x43: {  	_ =	shalt  }
0x44: {  	_ =	shalt  }
0x45: {  	_ =	shalt  }
0x46: {  	_ =	shalt  }
0x47: {  	_ =	shalt  }
0x48: {  	_ =	shalt  }
0x49: {  	_ =	shalt  }
0x4a: {  	_ =	shalt  }
0x4b: {  	_ =	shalt  }
0x4c: {  	_ =	shalt  }
0x4d: {  	_ =	shalt  }
0x4e: {  	_ =	shalt  }
0x4f: {  	_ =	shalt  }
0x50: {  	_ =	shalt  }
0x51: {  	_ =	shalt  }
0x52: {  	_ =	shalt  }
0x53: {  	_ =	shalt  }
0x54: {  	_ =	shalt  }
0x55: {  	_ =	shalt  }
0x56: {  	_ =	shalt  }
0x57: {  	_ =	shalt  }
0x58: {  	_ =	shalt  }
0x59: {  	_ =	shalt  }
0x5a: {  	_ =	shalt  }
0x5b: {  	_ =	shalt  }
0x5c: {  	_ =	shalt  }
0x5d: {  	_ =	shalt  }
0x5e: {  	_ =	shalt  }
0x5f: {  	_ =	shalt  }
0x60: {  	_ =	shalt  }
0x61: {  	_ =	shalt  }
0x62: {  	_ =	shalt  }
0x63: {  	_ =	shalt  }
0x64: {  	_ =	shalt  }
0x65: {  	_ =	shalt  }
0x66: {  	_ =	shalt  }
0x67: {  	_ =	shalt  }
0x68: {  	_ =	shalt  }
0x69: {  	_ =	shalt  }
0x6a: {  	_ =	shalt  }
0x6b: {  	_ =	shalt  }
0x6c: {  	_ =	shalt  }
0x6d: {  	_ =	shalt  }
0x6e: {  	_ =	shalt  }
0x6f: {  	_ =	shalt  }
0x70: {  	_ =	shalt  }
0x71: {  	_ =	shalt  }
0x72: {  	_ =	shalt  }
0x73: {  	_ =	shalt  }
0x74: {  	_ =	shalt  }
0x75: {  	_ =	shalt  }
0x76: {  	_ =	shalt  }
0x77: {  	_ =	shalt  }
0x78: {  	_ =	shalt  }
0x79: {  	_ =	shalt  }
0x7a: {  	_ =	shalt  }
0x7b: {  	_ =	shalt  }
0x7c: {  	_ =	shalt  }
0x7d: {  	_ =	shalt  }
0x7e: {  	_ =	shalt  }
0x7f: {  	_ =	shalt  }
0x80: {  	_ =	shalt  }
0x81: {  	_ =	shalt  }
0x82: {  	_ =	shalt  }
0x83: {  	_ =	shalt  }
0x84: {  	_ =	shalt  }
0x85: {  	_ =	shalt  }
0x86: {  	_ =	shalt  }
0x87: {  	_ =	shalt  }
.Lfunc_end0:
.L_simem_size_0:
called_computation_lowered:
.L_overlay_start_0:
0x88: {  	s2 =	sld [smem:$0x3FD9]  }
0x89: {  	s3 =	sld [smem:$0x3FFE];
	_ =	sdelay $0x1  }
0x8a: {  	s1 =	srdreg.scid  }
0x8b: {  	s0 =	sand.u32 $0x1, s1  }
0x8c: {  	s17 =	sshll.u32 s0, $0xA;
	s2 =	sadd.s32 s3, s2  }
0x8d: {  	s2 =	sadd.s32 s2, s17  }
0x8e: {  	[smem:$0x3FC6] =	sst s2  }
0x8f: {  	_ = 	snop  }
0x90: {  	s2 =	sld [smem:$0x3FC9]  }
0x91: {  	s18 =	sld [smem:$0x3FD0];
	(tm) =	ssettm $0x1  }
0x92: {  	s4 =	sld [smem:$0x3FFB];
	_ =	sdelay $0x3  }
0x93: {  	_ =	strace s4  }
0x94: {  	s4 =	sld [smem:$0x3FFC];
	_ =	sdelay $0x3  }
0x95: {  	_ =	strace s4  }
0x96: {  	s4 =	sld [smem:$0x3FFD];
	_ =	sdelay $0x3  }
0x97: {  	_ =	strace s4  }
0x98: {  	_ =	strace $0x8FFFFFFF  }
0x99: {  	s19 =	sld [smem:$0x3FDB];
	_ =	sdelay $0x1  }
0x9a: {  	s5 =	simm.s32 $_scs_section_size  }
0x9b: {  	s6 =	simm.s32 $_size__tile_overlayer_lowered;
	s7 =	simm.s32 $_tile_overlayer_lowered  }
0x9c: {  	s22 =	simm.s32 $0x1BFF;
	s21 =	sshll.u32 s7, $0x1;
	s4 =	sadd.s32 s5, s19  }
0x9d: {  	s8 =	simm.s32 $0x0;
	s20 =	sshll.u32 s6, $0x1;
	s6 =	sadd.s32 s21, s4  }
0x9e: {  	[timem:s8], [sflag:s22] =	dma.local [hbm:s6], s20  }
0x9f: {  	_ =	swait.ge [sflag:s22], s20  }
0xa0: {  	s5 =	ssub.s32 $0x0, s20;
	[sflag:s22] =	ssyncset.done $0x0  }
0xa1: {  	[sflag:s22] =	ssyncadd.s32 s5;
	_ =	sdelay $0x1  }
0xa2: {  	s23 =	simm.s32 $0x1B8B  }
0xa3: {  	_ =	swait.ge [sflag:s23], $0x1  }
0xa4: {  	[sflag:s23] =	ssyncset.done $0x0  }
0xa5: {  	s25 =	simm.s32 $0x1B8E;
	s24 =	sld [smem:$0x3FFE];
	[sflag:s23] =	ssyncadd.s32 $0xFFFFFFFF  }
0xa6: {  	s26 =	simm.s32 $execute0_lowered;
	[smem:$0x3FD2] =	sst s25  }
0xa7: {  	s6 =	sshll.u32 s26, $0x1;
	_ =	strace $0x80000046;
	[dreg:$0x1] =	wrdreg $0xFFFFFFFF  }
0xa8: {  	s28 =	simm.s32 $_size_execute0_lowered;
	s4 =	sadd.s32 s4, s6;
	[dreg:$0x0] =	wrdreg $0x0  }
0xa9: {  	s6 =	sshll.u32 s28, $0x1;
	[dreg:$0x2] =	wrdreg s4  }
0xaa: {  	[dreg:$0x3] =	wrdreg s6  }
0xab: {  	[dreg:$0x4] =	wrdreg $0xC0  }
0xac: {  	_ =	task [dreg:s8], $0x5FFFF  }
0xad: {  	[dreg:$0x1] =	wrdreg $0xFFFFFFFF  }
0xae: {  	[dreg:$0x0] =	wrdreg $0x60  }
0xaf: {  	[dreg:$0x2] =	wrdreg s2  }
0xb0: {  	[dreg:$0x3] =	wrdreg s24  }
0xb1: {  	[dreg:$0x4] =	wrdreg s18  }
0xb2: {  	[dreg:$0x5] =	wrdreg $0x9  }
0xb3: {  	_ =	task.clear_ibuf [dreg:s8], $0x6FFFF;
	_ =	strace $0x90000046  }
0xb4: {  	s29 =	simm.s32 $0x9;
	_ =	strace $0x80000048  }
0xb5: {  	_ =	swait.ge [sflag:s29], $0x1  }
0xb6: {  	[sflag:s29] =	ssyncadd.s32 $0xFFFFFFFF  }
0xb7: {  	_ =	strace $0x90000048  }
0xb8: {  	_ =	sfence  }
0xb9: {  	s30 =	sld [smem:$0x0];
	_ =	sdelay $0x2  }
0xba: {  	s31 =	sshll.u32 s1, $0xD;
	s1 =	sshrl.u32 s1, $0x2  }
0xbb: {  	s3 =	sand.u32 $0x4000, s31;
	s1 =	sadd.s32 s1, s30  }
0xbc: {  	s0 =	sor.u32 s3, s0;
	s1 =	sshll.u32 s1, $0x11  }
0xbd: {  	s0 =	sor.u32 s1, s0  }
0xbe: {  	s0 =	sadd.s32 $0x8F2B, s0  }
0xbf: {  	[sflag:s0] =	ssyncadd.remote.s32 $0x1  }
0xc0: {  	_ =	sfence.sel $0xFFFF  }
0xc1: {  	[dreg:$0x0] =	wrdreg $0xFFFFFFFF;
	(pc) =	sbr.abs _section_cstart, $3  }
0xc2: {  	[dreg:$0x1] =	wrdreg $0xFFFFFFFF  }
0xc3: {  	_ =	task.clear_ibuf [dreg:s8], $0x2FFFF;
	_ =	strace $0x9FFFFFFF  }
0xc4: {  	(tm) =	ssettm $0x7FFFFFFF  }
0xc5: {  	_ =	shalt  }
tec
execute0_lowered:
.L_overlay_start_1:
0x0: {  	(tag) =	ssettag $0x1  }
0x1: {  	s1 =	rddreg [dreg:$0x0]  }
0x2: {  	s0 =	rddreg [dreg:$0x1]  }
0x3: {  	s5 =	rddreg [dreg:$0x2]  }
0x4: {  	s3 =	srdreg.scid;
	s2 =	stileid.u32;
	s8 =	simm.s32 $0x80  }
0x5: {  	s26 =	simm.s32 $0x880;
	s9 =	simm.s32 $0x1080;
	s10 =	simm.s32 $0x1880  }
0x6: {  	s11 =	simm.s32 $0x2080;
	s12 =	simm.s32 $0x2880;
	s13 =	simm.s32 $0x3080  }
0x7: {  	s14 =	simm.s32 $0x3880;
	s15 =	simm.s32 $0x4080;
	s16 =	simm.s32 $0x4880  }
0x8: {  	s17 =	simm.s32 $0x5080;
	s18 =	simm.s32 $0x5880;
	s19 =	simm.s32 $0x6080  }
0x9: {  	s20 =	simm.s32 $0x6880;
	s21 =	simm.s32 $0x7080;
	s22 =	simm.s32 $0x7880  }
0xa: {  	s23 =	simm.s32 $0x8080;
	s28 =	simm.s32 $0xA080;
	s29 =	simm.s32 $0xA880  }
0xb: {  	s30 =	simm.s32 $0xB080;
	s31 =	simm.s32 $0xB880;
	s4 =	sand.u32 $0x1, s3  }
0xc: {  	s3 =	simm.s32 $0x0;
	s6 =	sshll.u32 s2, $0x4;
	s7 =	sshll.u32 s4, $0x3  }
0xd: {  	[smem:$0x7FF] =	sst s3;
	s4 =	ssub.s32 $0x2, s4;
	s6 =	sor.u32 s7, s6  }
0xe: {  	s24 =	sshrl.u32 s4, $0x1;
	_ =	strace $0x80000047;
	[dreg:$0x6] =	wrdreg s26  }
0xf: {  	s26 =	simm.s32 $0x9880;
	s0 =	sadd.s32 s6, s0;
	s6 =	smul.u32 $0x300, s6  }
0x10: {  	s7 =	ssub.s32 s4, s24;
	s4 =	sadd.s32 $0x100, s1;
	s0 =	sadd.s32 $0x600, s0  }
0x11: {  	v2 =	vlaneseq.u32;
	s24 =	simm.s32 $0x8880;
	[dreg:$0x4] =	wrdreg s0;
	s25 =	sadd.s32 s5, s6  }
0x12: {  	vm0 =	vmmov $0xffff;
	v1 =	vshrl.u32 v2, $0x3;
	s5 =	sadd.s32 $0x200, s1;
	s6 =	smax.u32 s7, $0x1;
	s7 =	simm.s32 $0x2  }
0x13: {  	v0 =	vand.u32 $0x7, v2;
	v2 =	vor.u32 $0x8, v2;
	v1 =	vmul.u32 $0x8, v1;
	s0 =	simm.s32 $0x1;
	[dreg:$0x5] =	wrdreg s25;
	s25 =	simm.s32 $0x9080  }
.LBB2_1:
0x14: {  	s2 =	rddreg [dreg:$0x4]  }
0x15: {  	[tilespmem:s3], [sflag:$0x2] =	stream.linear.gather [hbm4b:s2+s3], $0x40, $0x38;
	[tilespmem:$0xC080] =	vst v63  }
0x16: {  	_ =	swait.ge [sflag:s7], $0x40  }
0x17: {  	[sflag:s7] =	ssyncset.done $0x0  }
0x18: {  	[sflag:s7] =	ssyncadd.s32 $0xFFFFFFC0  }
0x19: {  	v3 =	vld [tilespmem:$0x0];
	_ =	sdelay $0x4  }
0x1a: {  	v4 =	vshrl.u32 v3, $0x3  }
0x1b: {  	v4 =	vmul.u32 $0x30, v4  }
0x1c: {  	v3 =	vand.u32 $0x7, v3  }
0x1d: {  	v3 =	vor.u32 v3, v4  }
0x1e: {  	v4 =	vperm.xlane v3, v0;
	_ =	sdelay $0x1  }
0x1f: {  	v4 =	vadd.s32 v1, v4;
	_ =	sdelay $0x3  }
0x20: {  	v3 =	vperm.xlane v3, v2  }
0x21: {  	[tilespmem:s8], [sflag:$0x1] =	stream.indirect_vreg.gather [hbm4b:s1+s3], $0x80, v4, vm0, $0xb8;
	[tilespmem:$0xC080] =	vst v63  }
0x22: {  	s2 =	rddreg [dreg:$0x6];
	v3 =	vadd.s32 v1, v3  }
0x23: {  	[tilespmem:s2], [sflag:$0x1] =	stream.indirect_vreg.gather [hbm4b:s4+s3], $0x80, v4, vm0, $0xb8;
	[tilespmem:$0xC080] =	vst v63  }
0x24: {  	_ = 	snop  }
0x25: {  	[tilespmem:s9], [sflag:$0x1] =	stream.indirect_vreg.gather [hbm4b:s5+s3], $0x80, v4, vm0, $0xb8;
	[tilespmem:$0xC080] =	vst v63  }
0x26: {  	_ = 	snop  }
0x27: {  	[tilespmem:s10], [sflag:$0x1] =	stream.indirect_vreg.gather [hbm4b:s1+s3], $0x80, v3, vm0, $0xb8;
	[tilespmem:$0xC080] =	vst v63  }
0x28: {  	_ = 	snop  }
0x29: {  	[tilespmem:s11], [sflag:$0x1] =	stream.indirect_vreg.gather [hbm4b:s4+s3], $0x80, v3, vm0, $0xb8;
	[tilespmem:$0xC080] =	vst v63  }
0x2a: {  	_ = 	snop  }
0x2b: {  	[tilespmem:s12], [sflag:$0x1] =	stream.indirect_vreg.gather [hbm4b:s5+s3], $0x80, v3, vm0, $0xb8;
	[tilespmem:$0xC080] =	vst v63  }
0x2c: {  	v3 =	vld [tilespmem:$0x10];
	_ =	sdelay $0x4  }
0x2d: {  	v61 =	vshrl.u32 v3, $0x3  }
0x2e: {  	v4 =	vmul.u32 $0x30, v61  }
0x2f: {  	v3 =	vand.u32 $0x7, v3  }
0x30: {  	v3 =	vor.u32 v3, v4  }
0x31: {  	v4 =	vperm.xlane v3, v0;
	_ =	sdelay $0x1  }
0x32: {  	v4 =	vadd.s32 v1, v4;
	_ =	sdelay $0x3  }
0x33: {  	v3 =	vperm.xlane v3, v2  }
0x34: {  	[tilespmem:s13], [sflag:$0x1] =	stream.indirect_vreg.gather [hbm4b:s1+s3], $0x80, v4, vm0, $0xb8;
	[tilespmem:$0xC080] =	vst v63  }
0x35: {  	v3 =	vadd.s32 v1, v3  }
0x36: {  	[tilespmem:s14], [sflag:$0x1] =	stream.indirect_vreg.gather [hbm4b:s4+s3], $0x80, v4, vm0, $0xb8;
	[tilespmem:$0xC080] =	vst v63  }
0x37: {  	_ = 	snop  }
0x38: {  	[tilespmem:s15], [sflag:$0x1] =	stream.indirect_vreg.gather [hbm4b:s5+s3], $0x80, v4, vm0, $0xb8;
	[tilespmem:$0xC080] =	vst v63  }
0x39: {  	_ = 	snop  }
0x3a: {  	[tilespmem:s16], [sflag:$0x1] =	stream.indirect_vreg.gather [hbm4b:s1+s3], $0x80, v3, vm0, $0xb8;
	[tilespmem:$0xC080] =	vst v63  }
0x3b: {  	_ = 	snop  }
0x3c: {  	[tilespmem:s17], [sflag:$0x1] =	stream.indirect_vreg.gather [hbm4b:s4+s3], $0x80, v3, vm0, $0xb8;
	[tilespmem:$0xC080] =	vst v63  }
0x3d: {  	_ = 	snop  }
0x3e: {  	[tilespmem:s18], [sflag:$0x1] =	stream.indirect_vreg.gather [hbm4b:s5+s3], $0x80, v3, vm0, $0xb8;
	[tilespmem:$0xC080] =	vst v63  }
0x3f: {  	v3 =	vld [tilespmem:$0x20];
	_ =	sdelay $0x4  }
0x40: {  	v62 =	vshrl.u32 v3, $0x3  }
0x41: {  	v4 =	vmul.u32 $0x30, v62  }
0x42: {  	v3 =	vand.u32 $0x7, v3  }
0x43: {  	v3 =	vor.u32 v3, v4  }
0x44: {  	v4 =	vperm.xlane v3, v0;
	_ =	sdelay $0x1  }
0x45: {  	v4 =	vadd.s32 v1, v4;
	_ =	sdelay $0x3  }
0x46: {  	v3 =	vperm.xlane v3, v2  }
0x47: {  	[tilespmem:s19], [sflag:$0x1] =	stream.indirect_vreg.gather [hbm4b:s1+s3], $0x80, v4, vm0, $0xb8;
	[tilespmem:$0xC080] =	vst v63  }
0x48: {  	v3 =	vadd.s32 v1, v3  }
0x49: {  	[tilespmem:s20], [sflag:$0x1] =	stream.indirect_vreg.gather [hbm4b:s4+s3], $0x80, v4, vm0, $0xb8;
	[tilespmem:$0xC080] =	vst v63  }
0x4a: {  	_ = 	snop  }
0x4b: {  	[tilespmem:s21], [sflag:$0x1] =	stream.indirect_vreg.gather [hbm4b:s5+s3], $0x80, v4, vm0, $0xb8;
	[tilespmem:$0xC080] =	vst v63  }
0x4c: {  	_ = 	snop  }
0x4d: {  	[tilespmem:s22], [sflag:$0x1] =	stream.indirect_vreg.gather [hbm4b:s1+s3], $0x80, v3, vm0, $0xb8;
	[tilespmem:$0xC080] =	vst v63  }
0x4e: {  	_ = 	snop  }
0x4f: {  	[tilespmem:s23], [sflag:$0x1] =	stream.indirect_vreg.gather [hbm4b:s4+s3], $0x80, v3, vm0, $0xb8;
	[tilespmem:$0xC080] =	vst v63  }
0x50: {  	_ = 	snop  }
0x51: {  	[tilespmem:s24], [sflag:$0x1] =	stream.indirect_vreg.gather [hbm4b:s5+s3], $0x80, v3, vm0, $0xb8;
	[tilespmem:$0xC080] =	vst v63  }
0x52: {  	v3 =	vld [tilespmem:$0x30];
	_ =	sdelay $0x4  }
0x53: {  	v63 =	vshrl.u32 v3, $0x3  }
0x54: {  	v4 =	vmul.u32 $0x30, v63  }
0x55: {  	v3 =	vand.u32 $0x7, v3  }
0x56: {  	v3 =	vor.u32 v3, v4  }
0x57: {  	v4 =	vperm.xlane v3, v0;
	_ =	sdelay $0x1  }
0x58: {  	v4 =	vadd.s32 v1, v4;
	_ =	sdelay $0x3  }
0x59: {  	v3 =	vperm.xlane v3, v2  }
0x5a: {  	[tilespmem:s25], [sflag:$0x1] =	stream.indirect_vreg.gather [hbm4b:s1+s3], $0x80, v4, vm0, $0xb8;
	[tilespmem:$0xC080] =	vst v63  }
0x5b: {  	v3 =	vadd.s32 v1, v3  }
0x5c: {  	[tilespmem:s26], [sflag:$0x1] =	stream.indirect_vreg.gather [hbm4b:s4+s3], $0x80, v4, vm0, $0xb8;
	[tilespmem:$0xC080] =	vst v63  }
0x5d: {  	_ = 	snop  }
0x5e: {  	[tilespmem:s28], [sflag:$0x1] =	stream.indirect_vreg.gather [hbm4b:s5+s3], $0x80, v4, vm0, $0xb8;
	[tilespmem:$0xC080] =	vst v63  }
0x5f: {  	_ = 	snop  }
0x60: {  	[tilespmem:s29], [sflag:$0x1] =	stream.indirect_vreg.gather [hbm4b:s1+s3], $0x80, v3, vm0, $0xb8;
	[tilespmem:$0xC080] =	vst v63  }
0x61: {  	_ = 	snop  }
0x62: {  	[tilespmem:s30], [sflag:$0x1] =	stream.indirect_vreg.gather [hbm4b:s4+s3], $0x80, v3, vm0, $0xb8;
	[tilespmem:$0xC080] =	vst v63  }
0x63: {  	_ = 	snop  }
0x64: {  	[tilespmem:s31], [sflag:$0x1] =	stream.indirect_vreg.gather [hbm4b:s5+s3], $0x80, v3, vm0, $0xb8;
	[tilespmem:$0xC080] =	vst v63  }
0x65: {  	_ =	swait.ge [sflag:s0], $0xC000  }
0x66: {  	p0 =	sne.s32 s6, $0x1;
	[sflag:s0] =	ssyncset.done $0x0  }
.Ltmp0:
0x67: {  	s2 =	rddreg [dreg:$0x5];
	[sflag:s0] =	ssyncadd.s32 $0xFFFF4000;
	(pc) =	sbr.rel @p0 .LBB2_1-.Ltmp0, $4  }
0x68: {  	[hbm4b:s2+s3] =	stream.linear.scatter [tilespmem:s8], [sflag:$0x2], $0xC000, $0x38;
	[tilespmem:$0xC080] =	vst v63  }
0x69: {  	_ =	swait.ge [sflag:s7], $0xC000  }
0x6a: {  	[sflag:s7] =	ssyncset.done $0x0  }
0x6b: {  	s6 =	sadd.s32 $0xFFFFFFFF, s6;
	[sflag:s7] =	ssyncadd.s32 $0xFFFF4000  }
0x6c: {  	_ =	sfence.sel $0x180000  }
0x6d: {  	[bflag:$0x0] =	sbarrier.arrive $0xFFFF  }
0x6e: {  	_ =	strace $0x90000047  }
0x6f: {  	s0 =	stileid.u32;
	[bflag:$0x2] =	sbarrier.arrive $0xFFFF  }
0x70: {  	p0 =	sne.s32 s0, $0x0;
	s0 =	rddreg [dreg:$0x3]  }
0x71: {  	s0 =	sadd.s32 @!p0 $0x100000, s0  }
0x72: {  	[sflag:s0] =	ssyncadd.tile.s32 @!p0 $0x1;
	_ =	shalt  }
.Lfunc_end2:
_tile_overlayer_lowered:
.L_overlay_start_2:
0x73: {  	(tag) =	ssettag $0x2  }
0x74: {  	s0 =	rddreg [dreg:$0x0];
	s2 =	stileid.u32  }
0x75: {  	s1 =	rddreg [dreg:$0x1];
	p0 =	sne.s32 s2, $0x0  }
0x76: {  	s3 =	rddreg [dreg:$0x2];
	[bflag:$0x3] =	sbarrier.arrive $0xFFFF;
	s2 =	simm.s32 @!p0 $0x1C02  }
0x77: {  	[timem:s3], [sflag:s2] =	dma.local @!p0 [hbm:s0], s1  }
0x78: {  	s0 =	simm.s32 @!p0 $0x2  }
0x79: {  	_ =	swait.ge @!p0 [sflag:s0], s1  }
0x7a: {  	s1 =	ssub.s32 @!p0 $0x0, s1;
	[sflag:s0] =	ssyncset.done @!p0 $0x0  }
0x7b: {  	[sflag:s0] =	ssyncadd.s32 @!p0 s1  }
0x7c: {  	[bflag:$0x3] =	sbarrier.arrive $0xFFFF  }
0x7d: {  	_ =	shalt  }

</sc_bundles>
